<compile_context>
chip_gen: v7x
topology: tpu7x:2x2x1
jax: 0.10.2.dev20260603
libtpu: 0.0.44.dev20260713+nightly
codegen_flags: <defaults>
</compile_context>

<pallas_src>
import functools

import jax
import jax.numpy as jnp
from jax import lax
from jax.experimental import pallas as pl
from jax.experimental.pallas import tpu as pltpu
from jax.experimental.pallas import tpu_sc as plsc

B, NKP, D, K, NUM_CLASSES = 256, 512, 128, 512, 11
IMG_BLK = 8
_NBLK = IMG_BLK * NKP


def _argmin_one(des_ref, cb_ref, out_ref, copy_ref):
    copy_ref[...] = des_ref[...]
    cb = cb_ref[...]
    cbn_half = 0.5 * jnp.sum(cb * cb, axis=1, keepdims=True)
    des = des_ref[...].reshape(_NBLK, D)
    dot = lax.dot_general(cb, des, (((1,), (1,)), ((), ())),
                          preferred_element_type=jnp.float32)
    s = dot - cbn_half
    m = jnp.max(s, axis=0, keepdims=True)
    maskf = jnp.where(s == m, 1.0, 0.0)
    kio = lax.broadcasted_iota(jnp.int32, (2, K), 1)
    rowid = lax.broadcasted_iota(jnp.int32, (2, K), 0)
    krows = jnp.where(rowid == 0, kio >> 8, kio & 255).astype(jnp.float32)
    hl = lax.dot_general(krows, maskf, (((1,), (0,)), ((), ())),
                         preferred_element_type=jnp.float32)
    idxf = 256.0 * hl[0:1] + hl[1:2]
    out_ref[0] = jnp.minimum(idxf, float(K - 1)).astype(jnp.int32)


def _argmin_body(des_a_ref, des_g_ref, cba_ref, cbg_ref,
                 out_a_ref, out_g_ref, cp_a_ref, cp_g_ref):
    _argmin_one(des_a_ref, cba_ref, out_a_ref, cp_a_ref)
    _argmin_one(des_g_ref, cbg_ref, out_g_ref, cp_g_ref)


def _argmin_call(des_a, des_g, cba, cbg):
    des_spec = pl.BlockSpec((IMG_BLK, NKP, D), lambda i: (i, 0, 0))
    cb_spec = pl.BlockSpec((K, D), lambda i: (0, 0))
    out_sds = jax.ShapeDtypeStruct((B // IMG_BLK, 1, _NBLK), jnp.int32)
    out_spec = pl.BlockSpec((1, 1, _NBLK), lambda i: (i, 0, 0))
    cp_sds = jax.ShapeDtypeStruct((B, NKP, D), jnp.float32)
    idx_a, idx_g, cp_a, cp_g = pl.pallas_call(
        _argmin_body,
        out_shape=[out_sds, out_sds, cp_sds, cp_sds],
        grid=(B // IMG_BLK,),
        in_specs=[des_spec, des_spec, cb_spec, cb_spec],
        out_specs=[out_spec, out_spec, des_spec, des_spec],
    )(des_a, des_g, cba, cbg)
    return idx_a.reshape(B * NKP), idx_g.reshape(B * NKP), cp_a, cp_g


_IMGS_PER_SUBCORE = 16


def _sc_hist_body(idx_a_hbm, idx_g_hbm, out_hbm, idx_v, hist_v):
    nc = 2
    wid = lax.axis_index("s") * nc + lax.axis_index("c")
    s = wid // 16
    b0 = (wid % 16) * _IMGS_PER_SUBCORE

    @pl.when(s == 0)
    def _():
        pltpu.sync_copy(idx_a_hbm.at[pl.ds(b0 * NKP, _IMGS_PER_SUBCORE * NKP)], idx_v)

    @pl.when(s == 1)
    def _():
        pltpu.sync_copy(idx_g_hbm.at[pl.ds(b0 * NKP, _IMGS_PER_SUBCORE * NKP)], idx_v)

    lanes = lax.broadcasted_iota(jnp.int32, (16,), 0)
    lane_nkp = lanes * NKP
    lane_k = lanes * K
    zero16 = jnp.zeros((16,), jnp.float32)
    val = jnp.full((16,), 1.0 / NKP, jnp.float32)

    _UNROLL = 8

    def _zero_chunk(c, carry):
        for u in range(_UNROLL):
            hist_v[pl.ds((c * _UNROLL + u) * 16, 16)] = zero16
        return carry

    lax.fori_loop(0, _IMGS_PER_SUBCORE * K // 16 // _UNROLL, _zero_chunk, 0)

    def _scatter(n0, carry):
        n = n0 * _UNROLL
        for u in range(_UNROLL):
            col = plsc.load_gather(idx_v, [lane_nkp + (n + u)])
            plsc.addupdate_scatter(hist_v, [lane_k + col], val)
        return carry

    lax.fori_loop(0, NKP // _UNROLL, _scatter, 0)
    pltpu.sync_copy(hist_v, out_hbm.at[s, pl.ds(b0 * K, _IMGS_PER_SUBCORE * K)])


@functools.cache
def _sc_hist_kernel():
    return pl.kernel(
        _sc_hist_body,
        out_type=jax.ShapeDtypeStruct((2, B * K), jnp.float32),
        mesh=plsc.VectorSubcoreMesh(core_axis_name="c", subcore_axis_name="s"),
        scratch_types=[
            pltpu.VMEM((_IMGS_PER_SUBCORE * NKP,), jnp.int32),
            pltpu.VMEM((_IMGS_PER_SUBCORE * K,), jnp.float32),
        ],
        compiler_params=pltpu.CompilerParams(
            use_tc_tiling_on_sc=False, needs_layout_passes=False),
    )


def _mlp_body(hist_ref, w1_ref, b1_ref, w2_ref, b2_ref, out_ref):
    ha = hist_ref[0].reshape(B, K)
    hg = hist_ref[1].reshape(B, K)
    w1a = w1_ref[0:K, :]
    w1g = w1_ref[K:2 * K, :]
    h = (jnp.dot(ha, w1a, preferred_element_type=jnp.float32)
         + jnp.dot(hg, w1g, preferred_element_type=jnp.float32)
         + b1_ref[...])
    h = jnp.maximum(h, 0.0)
    out_ref[...] = jnp.dot(h, w2_ref[...], preferred_element_type=jnp.float32) + b2_ref[...]


def _mlp_call(hist, W1, b1, W2p, b2p):
    return pl.pallas_call(
        _mlp_body,
        out_shape=jax.ShapeDtypeStruct((B, 128), jnp.float32),
    )(hist, W1, b1, W2p, b2p)


def kernel(des_a, des_g, codebook_a, codebook_g, W1, b1, W2, b2):
    idx_a, idx_g, des_a_out, des_g_out = _argmin_call(
        des_a, des_g, codebook_a, codebook_g)
    hist = _sc_hist_kernel()(idx_a, idx_g)
    pad = 128 - NUM_CLASSES
    W2p = jnp.pad(W2, ((0, 0), (0, pad)))
    b2p = jnp.pad(b2, ((0, pad),)).reshape(1, 128)
    out = _mlp_call(hist, W1, b1.reshape(1, K), W2p, b2p)
    logits = out[:, :NUM_CLASSES]
    return (des_a_out, des_g_out, logits)

# --- scband reference (transcript-rebuilt; emitter-appended) ---
"""Pipeline reference for scband-bo-fmodel-83245056131612 (READ-ONLY COPY).

The authoritative reference and input builder live on the scoring server;
editing this copy changes nothing except your own understanding.
"""

import jax, jax.numpy as jnp
import numpy as np

B, NKP, D, K, NUM_CLASSES = 256, 512, 128, 512, 11

def setup_inputs(seed: int = 0) -> dict:
    key = jax.random.key(seed)
    ks = jax.random.split(key, 8)
    return {
        "des_a": jax.random.normal(ks[0], (B, NKP, D), dtype=jnp.float32),
        "des_g": jax.random.normal(ks[1], (B, NKP, D), dtype=jnp.float32),
        "codebook_a": jax.random.normal(ks[2], (K, D), dtype=jnp.float32),
        "codebook_g": jax.random.normal(ks[3], (K, D), dtype=jnp.float32),
        "W1": jax.random.normal(ks[4], (2 * K, K), dtype=jnp.float32) * 0.02,
        "b1": jnp.zeros((K,), dtype=jnp.float32),
        "W2": jax.random.normal(ks[5], (K, NUM_CLASSES), dtype=jnp.float32) * 0.02,
        "b2": jnp.zeros((NUM_CLASSES,), dtype=jnp.float32),
    }

def _bof_histogram(des, codebook):
    # des: [B, n_kp, D]; codebook: [K, D]
    # kmeans.predict == nearest centroid in squared L2
    d2 = (jnp.sum(des * des, axis=-1, keepdims=True)
          - 2.0 * jnp.einsum('bnd,kd->bnk', des, codebook)
          + jnp.sum(codebook * codebook, axis=-1)[None, None, :])
    idx = jnp.argmin(d2, axis=-1)  # [B, n_kp]
    n = des.shape[1]
    k = codebook.shape[0]
    def one(ix):
        # histo[idx] += 1/nkp  (scatter-add histogram binning)
        return jnp.zeros((k,), dtype=des.dtype).at[ix].add(1.0 / n)
    return jax.vmap(one)(idx)  # [B, K]

def reference(des_a, des_g, codebook_a, codebook_g, W1, b1, W2, b2):
    hist_a = _bof_histogram(des_a, codebook_a)
    hist_g = _bof_histogram(des_g, codebook_g)
    hist = jnp.concatenate([hist_a, hist_g], axis=-1)  # [B, 2K]
    h = jax.nn.relu(hist @ W1 + b1)
    logits = h @ W2 + b2
    # original forward returns (a, g, classifier(histograms))
    return (des_a, des_g, logits)

if __name__ == "__main__":
    import jax
    _d = setup_inputs()
    print(jax.jit(kernel)(*tuple(_d.values())))

</pallas_src>

<mosaic_0001>
#map = affine_map<(d0, d1) -> (0)>
#map1 = affine_map<(d0, d1) -> (0, 0)>
module attributes {stable_mosaic.version = 14 : i64} {
  func.func @_sc_hist_body(%arg0: i32, %arg1: i32, %arg2: memref<131072xi32, #tpu.memory_space<hbm>>, %arg3: memref<131072xi32, #tpu.memory_space<hbm>>, %arg4: memref<2x131072xf32, #tpu.memory_space<hbm>>, %arg5: memref<8192xi32, #tpu.memory_space<vmem>>, %arg6: memref<8192xf32, #tpu.memory_space<vmem>>) attributes {dimension_semantics = [#tpu.dimension_semantics<core_parallel>, #tpu.dimension_semantics<subcore_parallel>], iteration_bounds = array<i64: 2, 16>, scalar_prefetch = 0 : i64, scratch_operands = 2 : i64, tpu.core_type = #tpu.core_type<sc_vector_subcore>, window_params = [{transform_indices = #map}, {transform_indices = #map}, {transform_indices = #map1}]} {
    %mul3A = arith.constant 2 : i32
    %mul3A_0 = arith.muli %arg1, %mul3A : i32
    %add3A = arith.addi %mul3A_0, %arg0 : i32
    %jit3A = arith.constant 16 : i32
    %div3A = arith.divsi %add3A, %jit3A : i32
    %sign3A = arith.constant 0 : i32
    %sign3A_1 = arith.cmpi sgt, %add3A, %sign3A : i32
    %sign3A_2 = arith.extui %sign3A_1 : i1 to i32
    %sign3A_3 = arith.constant 0 : i32
    %sign3A_4 = arith.cmpi slt, %add3A, %sign3A_3 : i32
    %sign3A_5 = arith.extui %sign3A_4 : i1 to i32
    %sign3A_6 = arith.subi %sign3A_2, %sign3A_5 : i32
    %sign3A_7 = arith.constant 0 : i32
    %sign3A_8 = arith.cmpi sgt, %jit3A, %sign3A_7 : i32
    %sign3A_9 = arith.extui %sign3A_8 : i1 to i32
    %sign3A_10 = arith.constant 0 : i32
    %sign3A_11 = arith.cmpi slt, %jit3A, %sign3A_10 : i32
    %sign3A_12 = arith.extui %sign3A_11 : i1 to i32
    %sign3A_13 = arith.subi %sign3A_9, %sign3A_12 : i32
    %ne3A = arith.cmpi ne, %sign3A_6, %sign3A_13 : i32
    %rem3A = arith.remsi %add3A, %jit3A : i32
    %ne3A_14 = arith.constant 0 : i32
    %ne3A_15 = arith.cmpi ne, %rem3A, %ne3A_14 : i32
    %and3A = arith.andi %ne3A, %ne3A_15 : i1
    %sub3A = arith.constant 1 : i32
    %sub3A_16 = arith.subi %div3A, %sub3A : i32
    %select_n3A = arith.select %and3A, %sub3A_16, %div3A : i32
    %jit3A_17 = arith.constant 16 : i32
    %eq3A = arith.constant 0 : i32
    %eq3A_18 = arith.cmpi eq, %jit3A_17, %eq3A : i32
    %jit3A_19 = arith.constant 1 : i32
    %select_n3A_20 = arith.select %eq3A_18, %jit3A_19, %jit3A_17 : i32
    %rem3A_21 = arith.remsi %add3A, %select_n3A_20 : i32
    %ne3A_22 = arith.constant 0 : i32
    %ne3A_23 = arith.cmpi ne, %rem3A_21, %ne3A_22 : i32
    %lt3A = arith.constant 0 : i32
    %lt3A_24 = arith.cmpi slt, %rem3A_21, %lt3A : i32
    %lt3A_25 = arith.constant 0 : i32
    %lt3A_26 = arith.cmpi slt, %select_n3A_20, %lt3A_25 : i32
    %ne3A_27 = arith.xori %lt3A_24, %lt3A_26 : i1
    %and3A_28 = arith.andi %ne3A_27, %ne3A_23 : i1
    %add3A_29 = arith.addi %rem3A_21, %select_n3A_20 : i32
    %select_n3A_30 = arith.select %and3A_28, %add3A_29, %rem3A_21 : i32
    %mul3A_31 = arith.constant 16 : i32
    %mul3A_32 = arith.muli %select_n3A_30, %mul3A_31 : i32
    %eq3A_33 = arith.constant 0 : i32
    %eq3A_34 = arith.cmpi eq, %select_n3A, %eq3A_33 : i32
    %convert_element_type3A = arith.extui %eq3A_34 : i1 to i32
    %cond3A = arith.constant 0 : i32
    %cond3A_35 = arith.cmpi ne, %convert_element_type3A, %cond3A : i32
    scf.if %cond3A_35 {
      %mul3A_63 = arith.constant 512 : i32
      %mul3A_64 = arith.muli %mul3A_32, %mul3A_63 : i32
      "tpu.region"() ({
        %run_scoped3A = tpu.sem_alloc : memref<!tpu.dma_semaphore, #tpu.memory_space<semaphore_mem>>
        %dma_start3A = tpu.memref_slice %arg2[%mul3A_64] : memref<131072xi32, #tpu.memory_space<hbm>> -> memref<8192xi32, #tpu.memory_space<hbm>>
        %dma_start3A_65 = tpu.memref_slice %arg2[%mul3A_64] : memref<131072xi32, #tpu.memory_space<hbm>> -> memref<8192xi32, #tpu.memory_space<hbm>>
        tpu.enqueue_dma source(%dma_start3A_65 : memref<8192xi32, #tpu.memory_space<hbm>>) target(%arg5 : memref<8192xi32, #tpu.memory_space<vmem>>) target_semaphore(%run_scoped3A : memref<!tpu.dma_semaphore, #tpu.memory_space<semaphore_mem>>)
        %dma_wait3A = tpu.memref_slice %arg2[%mul3A_64] : memref<131072xi32, #tpu.memory_space<hbm>> -> memref<8192xi32, #tpu.memory_space<hbm>>
        %dma_wait3A_66 = tpu.memref_slice %arg2[%mul3A_64] : memref<131072xi32, #tpu.memory_space<hbm>> -> memref<8192xi32, #tpu.memory_space<hbm>>
        tpu.wait_dma2 semaphore(%run_scoped3A : memref<!tpu.dma_semaphore, #tpu.memory_space<semaphore_mem>>) src(%dma_wait3A_66 : memref<8192xi32, #tpu.memory_space<hbm>>) dst(%arg5 : memref<8192xi32, #tpu.memory_space<vmem>>)
        tpu.yield
      }) : () -> ()
    } else {
    }
    %eq3A_36 = arith.constant 1 : i32
    %eq3A_37 = arith.cmpi eq, %select_n3A, %eq3A_36 : i32
    %convert_element_type3A_38 = arith.extui %eq3A_37 : i1 to i32
    %cond3A_39 = arith.constant 0 : i32
    %cond3A_40 = arith.cmpi ne, %convert_element_type3A_38, %cond3A_39 : i32
    scf.if %cond3A_40 {
      %mul3A_63 = arith.constant 512 : i32
      %mul3A_64 = arith.muli %mul3A_32, %mul3A_63 : i32
      "tpu.region"() ({
        %run_scoped3A = tpu.sem_alloc : memref<!tpu.dma_semaphore, #tpu.memory_space<semaphore_mem>>
        %dma_start3A = tpu.memref_slice %arg3[%mul3A_64] : memref<131072xi32, #tpu.memory_space<hbm>> -> memref<8192xi32, #tpu.memory_space<hbm>>
        %dma_start3A_65 = tpu.memref_slice %arg3[%mul3A_64] : memref<131072xi32, #tpu.memory_space<hbm>> -> memref<8192xi32, #tpu.memory_space<hbm>>
        tpu.enqueue_dma source(%dma_start3A_65 : memref<8192xi32, #tpu.memory_space<hbm>>) target(%arg5 : memref<8192xi32, #tpu.memory_space<vmem>>) target_semaphore(%run_scoped3A : memref<!tpu.dma_semaphore, #tpu.memory_space<semaphore_mem>>)
        %dma_wait3A = tpu.memref_slice %arg3[%mul3A_64] : memref<131072xi32, #tpu.memory_space<hbm>> -> memref<8192xi32, #tpu.memory_space<hbm>>
        %dma_wait3A_66 = tpu.memref_slice %arg3[%mul3A_64] : memref<131072xi32, #tpu.memory_space<hbm>> -> memref<8192xi32, #tpu.memory_space<hbm>>
        tpu.wait_dma2 semaphore(%run_scoped3A : memref<!tpu.dma_semaphore, #tpu.memory_space<semaphore_mem>>) src(%dma_wait3A_66 : memref<8192xi32, #tpu.memory_space<hbm>>) dst(%arg5 : memref<8192xi32, #tpu.memory_space<vmem>>)
        tpu.yield
      }) : () -> ()
    } else {
    }
    %iota3A = tpu.iota {dimensions = array<i32: 0>} : vector<16xi32>
    %mul3A_41 = arith.constant 512 : i32
    %mul3A_42 = vector.broadcast %mul3A_41 : i32 to vector<16xi32>
    %mul3A_43 = arith.muli %iota3A, %mul3A_42 : vector<16xi32>
    %mul3A_44 = arith.constant 512 : i32
    %mul3A_45 = vector.broadcast %mul3A_44 : i32 to vector<16xi32>
    %mul3A_46 = arith.muli %iota3A, %mul3A_45 : vector<16xi32>
    %broadcast_in_dim3A = arith.constant 0.000000e+00 : f32
    %broadcast_in_dim3A_47 = vector.broadcast %broadcast_in_dim3A : f32 to vector<16xf32>
    %broadcast_in_dim3A_48 = arith.constant 0.001953125 : f32
    %broadcast_in_dim3A_49 = vector.broadcast %broadcast_in_dim3A_48 : f32 to vector<16xf32>
    %scan3A = arith.constant 0 : i32
    %scan3A_50 = arith.constant 0 : i32
    %scan3A_51 = arith.constant 64 : i32
    %scan3A_52 = arith.addi %scan3A_50, %scan3A_51 : i32
    %scan3A_53 = arith.constant 1 : i32
    scf.for %scan3A_63 = %scan3A_50 to %scan3A_52 step %scan3A_53  : i32 {
      %mul3A_64 = arith.constant 8 : i32
      %mul3A_65 = arith.muli %scan3A_63, %mul3A_64 : i32
      %add3A_66 = arith.constant 0 : i32
      %add3A_67 = arith.addi %mul3A_65, %add3A_66 : i32
      %mul3A_68 = arith.constant 16 : i32
      %mul3A_69 = arith.muli %add3A_67, %mul3A_68 : i32
      %swap3A = arith.index_cast %mul3A_69 : i32 to index
      %swap3A_70 = tpu.vector_load %arg6[%swap3A] {strides = array<i32>} : memref<8192xf32, #tpu.memory_space<vmem>>, vector<16xf32>,
      tpu.vector_store %arg6[%swap3A], %broadcast_in_dim3A_47 {strides = array<i32>} : memref<8192xf32, #tpu.memory_space<vmem>>, vector<16xf32>,
      %mul3A_71 = arith.constant 8 : i32
      %mul3A_72 = arith.muli %scan3A_63, %mul3A_71 : i32
      %add3A_73 = arith.constant 1 : i32
      %add3A_74 = arith.addi %mul3A_72, %add3A_73 : i32
      %mul3A_75 = arith.constant 16 : i32
      %mul3A_76 = arith.muli %add3A_74, %mul3A_75 : i32
      %swap3A_77 = arith.index_cast %mul3A_76 : i32 to index
      %swap3A_78 = tpu.vector_load %arg6[%swap3A_77] {strides = array<i32>} : memref<8192xf32, #tpu.memory_space<vmem>>, vector<16xf32>,
      tpu.vector_store %arg6[%swap3A_77], %broadcast_in_dim3A_47 {strides = array<i32>} : memref<8192xf32, #tpu.memory_space<vmem>>, vector<16xf32>,
      %mul3A_79 = arith.constant 8 : i32
      %mul3A_80 = arith.muli %scan3A_63, %mul3A_79 : i32
      %add3A_81 = arith.constant 2 : i32
      %add3A_82 = arith.addi %mul3A_80, %add3A_81 : i32
      %mul3A_83 = arith.constant 16 : i32
      %mul3A_84 = arith.muli %add3A_82, %mul3A_83 : i32
      %swap3A_85 = arith.index_cast %mul3A_84 : i32 to index
      %swap3A_86 = tpu.vector_load %arg6[%swap3A_85] {strides = array<i32>} : memref<8192xf32, #tpu.memory_space<vmem>>, vector<16xf32>,
      tpu.vector_store %arg6[%swap3A_85], %broadcast_in_dim3A_47 {strides = array<i32>} : memref<8192xf32, #tpu.memory_space<vmem>>, vector<16xf32>,
      %mul3A_87 = arith.constant 8 : i32
      %mul3A_88 = arith.muli %scan3A_63, %mul3A_87 : i32
      %add3A_89 = arith.constant 3 : i32
      %add3A_90 = arith.addi %mul3A_88, %add3A_89 : i32
      %mul3A_91 = arith.constant 16 : i32
      %mul3A_92 = arith.muli %add3A_90, %mul3A_91 : i32
      %swap3A_93 = arith.index_cast %mul3A_92 : i32 to index
      %swap3A_94 = tpu.vector_load %arg6[%swap3A_93] {strides = array<i32>} : memref<8192xf32, #tpu.memory_space<vmem>>, vector<16xf32>,
      tpu.vector_store %arg6[%swap3A_93], %broadcast_in_dim3A_47 {strides = array<i32>} : memref<8192xf32, #tpu.memory_space<vmem>>, vector<16xf32>,
      %mul3A_95 = arith.constant 8 : i32
      %mul3A_96 = arith.muli %scan3A_63, %mul3A_95 : i32
      %add3A_97 = arith.constant 4 : i32
      %add3A_98 = arith.addi %mul3A_96, %add3A_97 : i32
      %mul3A_99 = arith.constant 16 : i32
      %mul3A_100 = arith.muli %add3A_98, %mul3A_99 : i32
      %swap3A_101 = arith.index_cast %mul3A_100 : i32 to index
      %swap3A_102 = tpu.vector_load %arg6[%swap3A_101] {strides = array<i32>} : memref<8192xf32, #tpu.memory_space<vmem>>, vector<16xf32>,
      tpu.vector_store %arg6[%swap3A_101], %broadcast_in_dim3A_47 {strides = array<i32>} : memref<8192xf32, #tpu.memory_space<vmem>>, vector<16xf32>,
      %mul3A_103 = arith.constant 8 : i32
      %mul3A_104 = arith.muli %scan3A_63, %mul3A_103 : i32
      %add3A_105 = arith.constant 5 : i32
      %add3A_106 = arith.addi %mul3A_104, %add3A_105 : i32
      %mul3A_107 = arith.constant 16 : i32
      %mul3A_108 = arith.muli %add3A_106, %mul3A_107 : i32
      %swap3A_109 = arith.index_cast %mul3A_108 : i32 to index
      %swap3A_110 = tpu.vector_load %arg6[%swap3A_109] {strides = array<i32>} : memref<8192xf32, #tpu.memory_space<vmem>>, vector<16xf32>,
      tpu.vector_store %arg6[%swap3A_109], %broadcast_in_dim3A_47 {strides = array<i32>} : memref<8192xf32, #tpu.memory_space<vmem>>, vector<16xf32>,
      %mul3A_111 = arith.constant 8 : i32
      %mul3A_112 = arith.muli %scan3A_63, %mul3A_111 : i32
      %add3A_113 = arith.constant 6 : i32
      %add3A_114 = arith.addi %mul3A_112, %add3A_113 : i32
      %mul3A_115 = arith.constant 16 : i32
      %mul3A_116 = arith.muli %add3A_114, %mul3A_115 : i32
      %swap3A_117 = arith.index_cast %mul3A_116 : i32 to index
      %swap3A_118 = tpu.vector_load %arg6[%swap3A_117] {strides = array<i32>} : memref<8192xf32, #tpu.memory_space<vmem>>, vector<16xf32>,
      tpu.vector_store %arg6[%swap3A_117], %broadcast_in_dim3A_47 {strides = array<i32>} : memref<8192xf32, #tpu.memory_space<vmem>>, vector<16xf32>,
      %mul3A_119 = arith.constant 8 : i32
      %mul3A_120 = arith.muli %scan3A_63, %mul3A_119 : i32
      %add3A_121 = arith.constant 7 : i32
      %add3A_122 = arith.addi %mul3A_120, %add3A_121 : i32
      %mul3A_123 = arith.constant 16 : i32
      %mul3A_124 = arith.muli %add3A_122, %mul3A_123 : i32
      %swap3A_125 = arith.index_cast %mul3A_124 : i32 to index
      %swap3A_126 = tpu.vector_load %arg6[%swap3A_125] {strides = array<i32>} : memref<8192xf32, #tpu.memory_space<vmem>>, vector<16xf32>,
      tpu.vector_store %arg6[%swap3A_125], %broadcast_in_dim3A_47 {strides = array<i32>} : memref<8192xf32, #tpu.memory_space<vmem>>, vector<16xf32>,
    }
    %scan3A_54 = arith.constant 64 : i32
    %scan3A_55 = arith.constant 0 : i32
    %scan3A_56 = arith.constant 0 : i32
    %scan3A_57 = arith.constant 64 : i32
    %scan3A_58 = arith.addi %scan3A_56, %scan3A_57 : i32
    %scan3A_59 = arith.constant 1 : i32
    scf.for %scan3A_63 = %scan3A_56 to %scan3A_58 step %scan3A_59  : i32 {
      %mul3A_64 = arith.constant 8 : i32
      %mul3A_65 = arith.muli %scan3A_63, %mul3A_64 : i32
      %add3A_66 = arith.constant 0 : i32
      %add3A_67 = arith.addi %mul3A_65, %add3A_66 : i32
      %add3A_68 = vector.broadcast %add3A_67 : i32 to vector<16xi32>
      %add3A_69 = arith.addi %mul3A_43, %add3A_68 : vector<16xi32>
      %gather3A = tpu.vector_load_idx %arg5[%add3A_69] : memref<8192xi32, #tpu.memory_space<vmem>>[vector<16xi32>], vector<16xi32>,
      %add3A_70 = arith.addi %mul3A_46, %gather3A : vector<16xi32>
      tpu.vector_store_idx %arg6[%add3A_70], %broadcast_in_dim3A_49 {add = true} : memref<8192xf32, #tpu.memory_space<vmem>>[vector<16xi32>], vector<16xf32>,
      %add3A_71 = arith.constant 1 : i32
      %add3A_72 = arith.addi %mul3A_65, %add3A_71 : i32
      %add3A_73 = vector.broadcast %add3A_72 : i32 to vector<16xi32>
      %add3A_74 = arith.addi %mul3A_43, %add3A_73 : vector<16xi32>
      %gather3A_75 = tpu.vector_load_idx %arg5[%add3A_74] : memref<8192xi32, #tpu.memory_space<vmem>>[vector<16xi32>], vector<16xi32>,
      %add3A_76 = arith.addi %mul3A_46, %gather3A_75 : vector<16xi32>
      tpu.vector_store_idx %arg6[%add3A_76], %broadcast_in_dim3A_49 {add = true} : memref<8192xf32, #tpu.memory_space<vmem>>[vector<16xi32>], vector<16xf32>,
      %add3A_77 = arith.constant 2 : i32
      %add3A_78 = arith.addi %mul3A_65, %add3A_77 : i32
      %add3A_79 = vector.broadcast %add3A_78 : i32 to vector<16xi32>
      %add3A_80 = arith.addi %mul3A_43, %add3A_79 : vector<16xi32>
      %gather3A_81 = tpu.vector_load_idx %arg5[%add3A_80] : memref<8192xi32, #tpu.memory_space<vmem>>[vector<16xi32>], vector<16xi32>,
      %add3A_82 = arith.addi %mul3A_46, %gather3A_81 : vector<16xi32>
      tpu.vector_store_idx %arg6[%add3A_82], %broadcast_in_dim3A_49 {add = true} : memref<8192xf32, #tpu.memory_space<vmem>>[vector<16xi32>], vector<16xf32>,
      %add3A_83 = arith.constant 3 : i32
      %add3A_84 = arith.addi %mul3A_65, %add3A_83 : i32
      %add3A_85 = vector.broadcast %add3A_84 : i32 to vector<16xi32>
      %add3A_86 = arith.addi %mul3A_43, %add3A_85 : vector<16xi32>
      %gather3A_87 = tpu.vector_load_idx %arg5[%add3A_86] : memref<8192xi32, #tpu.memory_space<vmem>>[vector<16xi32>], vector<16xi32>,
      %add3A_88 = arith.addi %mul3A_46, %gather3A_87 : vector<16xi32>
      tpu.vector_store_idx %arg6[%add3A_88], %broadcast_in_dim3A_49 {add = true} : memref<8192xf32, #tpu.memory_space<vmem>>[vector<16xi32>], vector<16xf32>,
      %add3A_89 = arith.constant 4 : i32
      %add3A_90 = arith.addi %mul3A_65, %add3A_89 : i32
      %add3A_91 = vector.broadcast %add3A_90 : i32 to vector<16xi32>
      %add3A_92 = arith.addi %mul3A_43, %add3A_91 : vector<16xi32>
      %gather3A_93 = tpu.vector_load_idx %arg5[%add3A_92] : memref<8192xi32, #tpu.memory_space<vmem>>[vector<16xi32>], vector<16xi32>,
      %add3A_94 = arith.addi %mul3A_46, %gather3A_93 : vector<16xi32>
      tpu.vector_store_idx %arg6[%add3A_94], %broadcast_in_dim3A_49 {add = true} : memref<8192xf32, #tpu.memory_space<vmem>>[vector<16xi32>], vector<16xf32>,
      %add3A_95 = arith.constant 5 : i32
      %add3A_96 = arith.addi %mul3A_65, %add3A_95 : i32
      %add3A_97 = vector.broadcast %add3A_96 : i32 to vector<16xi32>
      %add3A_98 = arith.addi %mul3A_43, %add3A_97 : vector<16xi32>
      %gather3A_99 = tpu.vector_load_idx %arg5[%add3A_98] : memref<8192xi32, #tpu.memory_space<vmem>>[vector<16xi32>], vector<16xi32>,
      %add3A_100 = arith.addi %mul3A_46, %gather3A_99 : vector<16xi32>
      tpu.vector_store_idx %arg6[%add3A_100], %broadcast_in_dim3A_49 {add = true} : memref<8192xf32, #tpu.memory_space<vmem>>[vector<16xi32>], vector<16xf32>,
      %add3A_101 = arith.constant 6 : i32
      %add3A_102 = arith.addi %mul3A_65, %add3A_101 : i32
      %add3A_103 = vector.broadcast %add3A_102 : i32 to vector<16xi32>
      %add3A_104 = arith.addi %mul3A_43, %add3A_103 : vector<16xi32>
      %gather3A_105 = tpu.vector_load_idx %arg5[%add3A_104] : memref<8192xi32, #tpu.memory_space<vmem>>[vector<16xi32>], vector<16xi32>,
      %add3A_106 = arith.addi %mul3A_46, %gather3A_105 : vector<16xi32>
      tpu.vector_store_idx %arg6[%add3A_106], %broadcast_in_dim3A_49 {add = true} : memref<8192xf32, #tpu.memory_space<vmem>>[vector<16xi32>], vector<16xf32>,
      %add3A_107 = arith.constant 7 : i32
      %add3A_108 = arith.addi %mul3A_65, %add3A_107 : i32
      %add3A_109 = vector.broadcast %add3A_108 : i32 to vector<16xi32>
      %add3A_110 = arith.addi %mul3A_43, %add3A_109 : vector<16xi32>
      %gather3A_111 = tpu.vector_load_idx %arg5[%add3A_110] : memref<8192xi32, #tpu.memory_space<vmem>>[vector<16xi32>], vector<16xi32>,
      %add3A_112 = arith.addi %mul3A_46, %gather3A_111 : vector<16xi32>
      tpu.vector_store_idx %arg6[%add3A_112], %broadcast_in_dim3A_49 {add = true} : memref<8192xf32, #tpu.memory_space<vmem>>[vector<16xi32>], vector<16xf32>,
    }
    %scan3A_60 = arith.constant 64 : i32
    %mul3A_61 = arith.constant 512 : i32
    %mul3A_62 = arith.muli %mul3A_32, %mul3A_61 : i32
    "tpu.region"() ({
      %run_scoped3A = tpu.sem_alloc : memref<!tpu.dma_semaphore, #tpu.memory_space<semaphore_mem>>
      %dma_start3A = tpu.memref_slice %arg4[%select_n3A, %mul3A_62] : memref<2x131072xf32, #tpu.memory_space<hbm>> -> memref<1x8192xf32, #tpu.memory_space<hbm>>
      %dma_start3A_63 = tpu.memref_squeeze %dma_start3A : memref<1x8192xf32, #tpu.memory_space<hbm>> -> memref<8192xf32, #tpu.memory_space<hbm>>
      %dma_start3A_64 = tpu.memref_slice %arg4[%select_n3A, %mul3A_62] : memref<2x131072xf32, #tpu.memory_space<hbm>> -> memref<1x8192xf32, #tpu.memory_space<hbm>>
      %dma_start3A_65 = tpu.memref_squeeze %dma_start3A_64 : memref<1x8192xf32, #tpu.memory_space<hbm>> -> memref<8192xf32, #tpu.memory_space<hbm>>
      tpu.enqueue_dma source(%arg6 : memref<8192xf32, #tpu.memory_space<vmem>>) target(%dma_start3A_65 : memref<8192xf32, #tpu.memory_space<hbm>>) target_semaphore(%run_scoped3A : memref<!tpu.dma_semaphore, #tpu.memory_space<semaphore_mem>>)
      %dma_wait3A = tpu.memref_slice %arg4[%select_n3A, %mul3A_62] : memref<2x131072xf32, #tpu.memory_space<hbm>> -> memref<1x8192xf32, #tpu.memory_space<hbm>>
      %dma_wait3A_66 = tpu.memref_squeeze %dma_wait3A : memref<1x8192xf32, #tpu.memory_space<hbm>> -> memref<8192xf32, #tpu.memory_space<hbm>>
      %dma_wait3A_67 = tpu.memref_slice %arg4[%select_n3A, %mul3A_62] : memref<2x131072xf32, #tpu.memory_space<hbm>> -> memref<1x8192xf32, #tpu.memory_space<hbm>>
      %dma_wait3A_68 = tpu.memref_squeeze %dma_wait3A_67 : memref<1x8192xf32, #tpu.memory_space<hbm>> -> memref<8192xf32, #tpu.memory_space<hbm>>
      tpu.wait_dma2 semaphore(%run_scoped3A : memref<!tpu.dma_semaphore, #tpu.memory_space<semaphore_mem>>) src(%arg6 : memref<8192xf32, #tpu.memory_space<vmem>>) dst(%dma_wait3A_68 : memref<8192xf32, #tpu.memory_space<hbm>>)
      tpu.yield
    }) : () -> ()
    return
  }
}

module attributes {stable_mosaic.version = 14 : i64} {
  func.func @_mlp_body(%arg0: memref<2x131072xf32, #tpu.memory_space<vmem>>, %arg1: memref<1024x512xf32, #tpu.memory_space<vmem>>, %arg2: memref<1x512xf32, #tpu.memory_space<vmem>>, %arg3: memref<512x128xf32, #tpu.memory_space<vmem>>, %arg4: memref<1x128xf32, #tpu.memory_space<vmem>>, %arg5: memref<256x128xf32, #tpu.memory_space<vmem>>) attributes {dimension_semantics = [], scalar_prefetch = 0 : i64, scratch_operands = 0 : i64, tpu.core_type = #tpu.core_type<tc>} {
    %get3A = arith.constant 0 : index
    %get3A_0 = arith.constant 0 : index
    %get3A_1 = vector.load %arg0[%get3A, %get3A_0] : memref<2x131072xf32, #tpu.memory_space<vmem>>, vector<1x131072xf32>
    %get3A_2 = vector.shape_cast %get3A_1 : vector<1x131072xf32> to vector<131072xf32>
    %reshape3A = vector.shape_cast %get3A_2 : vector<131072xf32> to vector<256x512xf32>
    %get3A_3 = arith.constant 1 : index
    %get3A_4 = arith.constant 0 : index
    %get3A_5 = vector.load %arg0[%get3A_3, %get3A_4] : memref<2x131072xf32, #tpu.memory_space<vmem>>, vector<1x131072xf32>
    %get3A_6 = vector.shape_cast %get3A_5 : vector<1x131072xf32> to vector<131072xf32>
    %reshape3A_7 = vector.shape_cast %get3A_6 : vector<131072xf32> to vector<256x512xf32>
    %get3A_8 = arith.constant 0 : index
    %get3A_9 = arith.constant 0 : index
    %get3A_10 = vector.load %arg1[%get3A_8, %get3A_9] : memref<1024x512xf32, #tpu.memory_space<vmem>>, vector<512x512xf32>
    %get3A_11 = arith.constant 512 : index
    %get3A_12 = arith.constant 0 : index
    %get3A_13 = vector.load %arg1[%get3A_11, %get3A_12] : memref<1024x512xf32, #tpu.memory_space<vmem>>, vector<512x512xf32>
    %dot_general3A = arith.constant dense<0.000000e+00> : vector<256x512xf32>
    %dot_general3A_14 = tpu.matmul %reshape3A, %get3A_10, %dot_general3A {dimension_numbers = #tpu.dot_dimension_numbers<[1], [0], [0], [1], [0, 0, 1, 1], [], []>, transpose_lhs_hint = false} : vector<256x512xf32>, vector<512x512xf32>, vector<256x512xf32> -> vector<256x512xf32>
    %dot_general3A_15 = arith.constant dense<0.000000e+00> : vector<256x512xf32>
    %dot_general3A_16 = tpu.matmul %reshape3A_7, %get3A_13, %dot_general3A_15 {dimension_numbers = #tpu.dot_dimension_numbers<[1], [0], [0], [1], [0, 0, 1, 1], [], []>, transpose_lhs_hint = false} : vector<256x512xf32>, vector<512x512xf32>, vector<256x512xf32> -> vector<256x512xf32>
    %add3A = arith.addf %dot_general3A_14, %dot_general3A_16 : vector<256x512xf32>
    %get3A_17 = arith.constant 0 : index
    %get3A_18 = arith.constant 0 : index
    %get3A_19 = vector.load %arg2[%get3A_17, %get3A_18] : memref<1x512xf32, #tpu.memory_space<vmem>>, vector<1x512xf32>
    %add3A_20 = vector.broadcast %get3A_19 : vector<1x512xf32> to vector<256x512xf32>
    %add3A_21 = arith.addf %add3A, %add3A_20 : vector<256x512xf32>
    %max3A = arith.constant 0.000000e+00 : f32
    %max3A_22 = vector.broadcast %max3A : f32 to vector<256x512xf32>
    %max3A_23 = arith.maximumf %add3A_21, %max3A_22 : vector<256x512xf32>
    %get3A_24 = arith.constant 0 : index
    %get3A_25 = arith.constant 0 : index
    %get3A_26 = vector.load %arg3[%get3A_24, %get3A_25] : memref<512x128xf32, #tpu.memory_space<vmem>>, vector<512x128xf32>
    %dot_general3A_27 = arith.constant dense<0.000000e+00> : vector<256x128xf32>
    %dot_general3A_28 = tpu.matmul %max3A_23, %get3A_26, %dot_general3A_27 {dimension_numbers = #tpu.dot_dimension_numbers<[1], [0], [0], [1], [0, 0, 1, 1], [], []>, transpose_lhs_hint = false} : vector<256x512xf32>, vector<512x128xf32>, vector<256x128xf32> -> vector<256x128xf32>
    %get3A_29 = arith.constant 0 : index
    %get3A_30 = arith.constant 0 : index
    %get3A_31 = vector.load %arg4[%get3A_29, %get3A_30] : memref<1x128xf32, #tpu.memory_space<vmem>>, vector<1x128xf32>
    %add3A_32 = vector.broadcast %get3A_31 : vector<1x128xf32> to vector<256x128xf32>
    %add3A_33 = arith.addf %dot_general3A_28, %add3A_32 : vector<256x128xf32>
    %swap3A = arith.constant 0 : index
    %swap3A_34 = arith.constant 0 : index
    %swap3A_35 = vector.load %arg5[%swap3A, %swap3A_34] : memref<256x128xf32, #tpu.memory_space<vmem>>, vector<256x128xf32>
    tpu.vector_store %arg5[%swap3A, %swap3A_34], %add3A_33 {strides = array<i32>} : memref<256x128xf32, #tpu.memory_space<vmem>>, vector<256x128xf32>,
    return
  }
}

module attributes {stable_mosaic.version = 14 : i64} {
  func.func @_argmin_body(%arg0: i32, %arg1: memref<8x512x128xf32, #tpu.memory_space<vmem>>, %arg2: memref<8x512x128xf32, #tpu.memory_space<vmem>>, %arg3: memref<512x128xf32, #tpu.memory_space<vmem>>, %arg4: memref<512x128xf32, #tpu.memory_space<vmem>>, %arg5: memref<1x1x4096xi32, #tpu.memory_space<vmem>>, %arg6: memref<1x1x4096xi32, #tpu.memory_space<vmem>>, %arg7: memref<8x512x128xf32, #tpu.memory_space<vmem>>, %arg8: memref<8x512x128xf32, #tpu.memory_space<vmem>>) attributes {dimension_semantics = [#tpu.dimension_semantics<arbitrary>], iteration_bounds = array<i64: 32>, scalar_prefetch = 0 : i64, scratch_operands = 0 : i64, tpu.core_type = #tpu.core_type<tc>, window_params = [{transform_indices = @transform_0, window_bounds = array<i64: 8, 512, 128>}, {transform_indices = @transform_1, window_bounds = array<i64: 8, 512, 128>}, {pipeline_mode = #tpu.pipeline_mode<synchronous>, transform_indices = @transform_2, window_bounds = array<i64: 512, 128>}, {pipeline_mode = #tpu.pipeline_mode<synchronous>, transform_indices = @transform_3, window_bounds = array<i64: 512, 128>}, {transform_indices = @transform_4, window_bounds = array<i64: 1, 1, 4096>}, {transform_indices = @transform_5, window_bounds = array<i64: 1, 1, 4096>}, {transform_indices = @transform_6, window_bounds = array<i64: 8, 512, 128>}, {transform_indices = @transform_7, window_bounds = array<i64: 8, 512, 128>}]} {
    %get3A = arith.constant 0 : index
    %get3A_0 = arith.constant 0 : index
    %get3A_1 = arith.constant 0 : index
    %get3A_2 = vector.load %arg1[%get3A, %get3A_0, %get3A_1] : memref<8x512x128xf32, #tpu.memory_space<vmem>>, vector<8x512x128xf32>
    %swap3A = arith.constant 0 : index
    %swap3A_3 = arith.constant 0 : index
    %swap3A_4 = arith.constant 0 : index
    %swap3A_5 = vector.load %arg7[%swap3A, %swap3A_3, %swap3A_4] : memref<8x512x128xf32, #tpu.memory_space<vmem>>, vector<8x512x128xf32>
    tpu.vector_store %arg7[%swap3A, %swap3A_3, %swap3A_4], %get3A_2 {strides = array<i32>} : memref<8x512x128xf32, #tpu.memory_space<vmem>>, vector<8x512x128xf32>,
    %get3A_6 = arith.constant 0 : index
    %get3A_7 = arith.constant 0 : index
    %get3A_8 = vector.load %arg3[%get3A_6, %get3A_7] : memref<512x128xf32, #tpu.memory_space<vmem>>, vector<512x128xf32>
    %mul3A = arith.mulf %get3A_8, %get3A_8 : vector<512x128xf32>
    %reduce_sum3A = arith.constant dense<0.000000e+00> : vector<512xf32>
    %reduce_sum3A_9 = vector.multi_reduction <add>, %mul3A, %reduce_sum3A [1] : vector<512x128xf32> to vector<512xf32>
    %broadcast_in_dim3A = vector.shape_cast %reduce_sum3A_9 : vector<512xf32> to vector<512x1xf32>
    %mul3A_10 = arith.constant 5.000000e-01 : f32
    %mul3A_11 = vector.broadcast %mul3A_10 : f32 to vector<512x1xf32>
    %mul3A_12 = arith.mulf %mul3A_11, %broadcast_in_dim3A : vector<512x1xf32>
    %get3A_13 = arith.constant 0 : index
    %get3A_14 = arith.constant 0 : index
    %get3A_15 = arith.constant 0 : index
    %get3A_16 = vector.load %arg1[%get3A_13, %get3A_14, %get3A_15] : memref<8x512x128xf32, #tpu.memory_space<vmem>>, vector<8x512x128xf32>
    %reshape3A = vector.shape_cast %get3A_16 : vector<8x512x128xf32> to vector<4096x128xf32>
    %dot_general3A = arith.constant dense<0.000000e+00> : vector<512x4096xf32>
    %dot_general3A_17 = tpu.matmul %get3A_8, %reshape3A, %dot_general3A {dimension_numbers = #tpu.dot_dimension_numbers<[1], [1], [0], [0], [0, 0, 1, 0], [], []>, transpose_lhs_hint = false} : vector<512x128xf32>, vector<4096x128xf32>, vector<512x4096xf32> -> vector<512x4096xf32>
    %sub3A = vector.broadcast %mul3A_12 : vector<512x1xf32> to vector<512x4096xf32>
    %sub3A_18 = arith.subf %dot_general3A_17, %sub3A : vector<512x4096xf32>
    %reduce_max3A = arith.constant dense<0xFF800000> : vector<4096xf32>
    %reduce_max3A_19 = vector.multi_reduction <maximumf>, %sub3A_18, %reduce_max3A [0] : vector<512x4096xf32> to vector<4096xf32>
    %broadcast_in_dim3A_20 = vector.shape_cast %reduce_max3A_19 : vector<4096xf32> to vector<1x4096xf32>
    %eq3A = vector.broadcast %broadcast_in_dim3A_20 : vector<1x4096xf32> to vector<512x4096xf32>
    %eq3A_21 = arith.cmpf oeq, %sub3A_18, %eq3A : vector<512x4096xf32>
    %jit3A = arith.constant 1.000000e+00 : f32
    %jit3A_22 = arith.constant 0.000000e+00 : f32
    %broadcast_in_dim3A_23 = vector.broadcast %jit3A : f32 to vector<512x4096xf32>
    %broadcast_in_dim3A_24 = vector.broadcast %jit3A_22 : f32 to vector<512x4096xf32>
    %select_n3A = arith.select %eq3A_21, %broadcast_in_dim3A_23, %broadcast_in_dim3A_24 : vector<512x4096xi1>, vector<512x4096xf32>
    %iota3A = tpu.iota {dimensions = array<i32: 1>} : vector<2x512xi32>
    %iota3A_25 = tpu.iota {dimensions = array<i32: 0>} : vector<2x512xi32>
    %eq3A_26 = arith.constant 0 : i32
    %eq3A_27 = vector.broadcast %eq3A_26 : i32 to vector<2x512xi32>
    %eq3A_28 = arith.cmpi eq, %iota3A_25, %eq3A_27 : vector<2x512xi32>
    %shift_right_arithmetic3A = arith.constant 8 : i32
    %shift_right_arithmetic3A_29 = vector.broadcast %shift_right_arithmetic3A : i32 to vector<2x512xi32>
    %shift_right_arithmetic3A_30 = arith.shrsi %iota3A, %shift_right_arithmetic3A_29 : vector<2x512xi32>
    %and3A = arith.constant 255 : i32
    %and3A_31 = vector.broadcast %and3A : i32 to vector<2x512xi32>
    %and3A_32 = arith.andi %iota3A, %and3A_31 : vector<2x512xi32>
    %select_n3A_33 = arith.select %eq3A_28, %shift_right_arithmetic3A_30, %and3A_32 : vector<2x512xi1>, vector<2x512xi32>
    %convert_element_type3A = arith.sitofp %select_n3A_33 : vector<2x512xi32> to vector<2x512xf32>
    %dot_general3A_34 = arith.constant dense<0.000000e+00> : vector<2x4096xf32>
    %dot_general3A_35 = tpu.matmul %convert_element_type3A, %select_n3A, %dot_general3A_34 {dimension_numbers = #tpu.dot_dimension_numbers<[1], [0], [0], [1], [0, 0, 1, 1], [], []>, transpose_lhs_hint = false} : vector<2x512xf32>, vector<512x4096xf32>, vector<2x4096xf32> -> vector<2x4096xf32>
    %slice3A = vector.extract_strided_slice %dot_general3A_35 {offsets = [0, 0], sizes = [1, 4096], strides = [1, 1]} : vector<2x4096xf32> to vector<1x4096xf32>
    %mul3A_36 = arith.constant 2.560000e+02 : f32
    %mul3A_37 = vector.broadcast %mul3A_36 : f32 to vector<1x4096xf32>
    %mul3A_38 = arith.mulf %mul3A_37, %slice3A : vector<1x4096xf32>
    %slice3A_39 = vector.extract_strided_slice %dot_general3A_35 {offsets = [1, 0], sizes = [1, 4096], strides = [1, 1]} : vector<2x4096xf32> to vector<1x4096xf32>
    %add3A = arith.addf %mul3A_38, %slice3A_39 : vector<1x4096xf32>
    %min3A = arith.constant 5.110000e+02 : f32
    %min3A_40 = vector.broadcast %min3A : f32 to vector<1x4096xf32>
    %min3A_41 = arith.minimumf %add3A, %min3A_40 : vector<1x4096xf32>
    %convert_element_type3A_42 = arith.fptosi %min3A_41 : vector<1x4096xf32> to vector<1x4096xi32>
    %swap3A_43 = arith.constant 0 : index
    %swap3A_44 = arith.constant 0 : index
    %swap3A_45 = arith.constant 0 : index
    %swap3A_46 = vector.load %arg5[%swap3A_43, %swap3A_44, %swap3A_45] : memref<1x1x4096xi32, #tpu.memory_space<vmem>>, vector<1x1x4096xi32>
    %swap3A_47 = vector.shape_cast %swap3A_46 : vector<1x1x4096xi32> to vector<1x4096xi32>
    %swap3A_48 = vector.shape_cast %convert_element_type3A_42 : vector<1x4096xi32> to vector<1x1x4096xi32>
    tpu.vector_store %arg5[%swap3A_43, %swap3A_44, %swap3A_45], %swap3A_48 {strides = array<i32>} : memref<1x1x4096xi32, #tpu.memory_space<vmem>>, vector<1x1x4096xi32>,
    %get3A_49 = arith.constant 0 : index
    %get3A_50 = arith.constant 0 : index
    %get3A_51 = arith.constant 0 : index
    %get3A_52 = vector.load %arg2[%get3A_49, %get3A_50, %get3A_51] : memref<8x512x128xf32, #tpu.memory_space<vmem>>, vector<8x512x128xf32>
    %swap3A_53 = arith.constant 0 : index
    %swap3A_54 = arith.constant 0 : index
    %swap3A_55 = arith.constant 0 : index
    %swap3A_56 = vector.load %arg8[%swap3A_53, %swap3A_54, %swap3A_55] : memref<8x512x128xf32, #tpu.memory_space<vmem>>, vector<8x512x128xf32>
    tpu.vector_store %arg8[%swap3A_53, %swap3A_54, %swap3A_55], %get3A_52 {strides = array<i32>} : memref<8x512x128xf32, #tpu.memory_space<vmem>>, vector<8x512x128xf32>,
    %get3A_57 = arith.constant 0 : index
    %get3A_58 = arith.constant 0 : index
    %get3A_59 = vector.load %arg4[%get3A_57, %get3A_58] : memref<512x128xf32, #tpu.memory_space<vmem>>, vector<512x128xf32>
    %mul3A_60 = arith.mulf %get3A_59, %get3A_59 : vector<512x128xf32>
    %reduce_sum3A_61 = arith.constant dense<0.000000e+00> : vector<512xf32>
    %reduce_sum3A_62 = vector.multi_reduction <add>, %mul3A_60, %reduce_sum3A_61 [1] : vector<512x128xf32> to vector<512xf32>
    %broadcast_in_dim3A_63 = vector.shape_cast %reduce_sum3A_62 : vector<512xf32> to vector<512x1xf32>
    %mul3A_64 = arith.constant 5.000000e-01 : f32
    %mul3A_65 = vector.broadcast %mul3A_64 : f32 to vector<512x1xf32>
    %mul3A_66 = arith.mulf %mul3A_65, %broadcast_in_dim3A_63 : vector<512x1xf32>
    %get3A_67 = arith.constant 0 : index
    %get3A_68 = arith.constant 0 : index
    %get3A_69 = arith.constant 0 : index
    %get3A_70 = vector.load %arg2[%get3A_67, %get3A_68, %get3A_69] : memref<8x512x128xf32, #tpu.memory_space<vmem>>, vector<8x512x128xf32>
    %reshape3A_71 = vector.shape_cast %get3A_70 : vector<8x512x128xf32> to vector<4096x128xf32>
    %dot_general3A_72 = arith.constant dense<0.000000e+00> : vector<512x4096xf32>
    %dot_general3A_73 = tpu.matmul %get3A_59, %reshape3A_71, %dot_general3A_72 {dimension_numbers = #tpu.dot_dimension_numbers<[1], [1], [0], [0], [0, 0, 1, 0], [], []>, transpose_lhs_hint = false} : vector<512x128xf32>, vector<4096x128xf32>, vector<512x4096xf32> -> vector<512x4096xf32>
    %sub3A_74 = vector.broadcast %mul3A_66 : vector<512x1xf32> to vector<512x4096xf32>
    %sub3A_75 = arith.subf %dot_general3A_73, %sub3A_74 : vector<512x4096xf32>
    %reduce_max3A_76 = arith.constant dense<0xFF800000> : vector<4096xf32>
    %reduce_max3A_77 = vector.multi_reduction <maximumf>, %sub3A_75, %reduce_max3A_76 [0] : vector<512x4096xf32> to vector<4096xf32>
    %broadcast_in_dim3A_78 = vector.shape_cast %reduce_max3A_77 : vector<4096xf32> to vector<1x4096xf32>
    %eq3A_79 = vector.broadcast %broadcast_in_dim3A_78 : vector<1x4096xf32> to vector<512x4096xf32>
    %eq3A_80 = arith.cmpf oeq, %sub3A_75, %eq3A_79 : vector<512x4096xf32>
    %jit3A_81 = arith.constant 1.000000e+00 : f32
    %jit3A_82 = arith.constant 0.000000e+00 : f32
    %broadcast_in_dim3A_83 = vector.broadcast %jit3A_81 : f32 to vector<512x4096xf32>
    %broadcast_in_dim3A_84 = vector.broadcast %jit3A_82 : f32 to vector<512x4096xf32>
    %select_n3A_85 = arith.select %eq3A_80, %broadcast_in_dim3A_83, %broadcast_in_dim3A_84 : vector<512x4096xi1>, vector<512x4096xf32>
    %iota3A_86 = tpu.iota {dimensions = array<i32: 1>} : vector<2x512xi32>
    %iota3A_87 = tpu.iota {dimensions = array<i32: 0>} : vector<2x512xi32>
    %eq3A_88 = arith.constant 0 : i32
    %eq3A_89 = vector.broadcast %eq3A_88 : i32 to vector<2x512xi32>
    %eq3A_90 = arith.cmpi eq, %iota3A_87, %eq3A_89 : vector<2x512xi32>
    %shift_right_arithmetic3A_91 = arith.constant 8 : i32
    %shift_right_arithmetic3A_92 = vector.broadcast %shift_right_arithmetic3A_91 : i32 to vector<2x512xi32>
    %shift_right_arithmetic3A_93 = arith.shrsi %iota3A_86, %shift_right_arithmetic3A_92 : vector<2x512xi32>
    %and3A_94 = arith.constant 255 : i32
    %and3A_95 = vector.broadcast %and3A_94 : i32 to vector<2x512xi32>
    %and3A_96 = arith.andi %iota3A_86, %and3A_95 : vector<2x512xi32>
    %select_n3A_97 = arith.select %eq3A_90, %shift_right_arithmetic3A_93, %and3A_96 : vector<2x512xi1>, vector<2x512xi32>
    %convert_element_type3A_98 = arith.sitofp %select_n3A_97 : vector<2x512xi32> to vector<2x512xf32>
    %dot_general3A_99 = arith.constant dense<0.000000e+00> : vector<2x4096xf32>
    %dot_general3A_100 = tpu.matmul %convert_element_type3A_98, %select_n3A_85, %dot_general3A_99 {dimension_numbers = #tpu.dot_dimension_numbers<[1], [0], [0], [1], [0, 0, 1, 1], [], []>, transpose_lhs_hint = false} : vector<2x512xf32>, vector<512x4096xf32>, vector<2x4096xf32> -> vector<2x4096xf32>
    %slice3A_101 = vector.extract_strided_slice %dot_general3A_100 {offsets = [0, 0], sizes = [1, 4096], strides = [1, 1]} : vector<2x4096xf32> to vector<1x4096xf32>
    %mul3A_102 = arith.constant 2.560000e+02 : f32
    %mul3A_103 = vector.broadcast %mul3A_102 : f32 to vector<1x4096xf32>
    %mul3A_104 = arith.mulf %mul3A_103, %slice3A_101 : vector<1x4096xf32>
    %slice3A_105 = vector.extract_strided_slice %dot_general3A_100 {offsets = [1, 0], sizes = [1, 4096], strides = [1, 1]} : vector<2x4096xf32> to vector<1x4096xf32>
    %add3A_106 = arith.addf %mul3A_104, %slice3A_105 : vector<1x4096xf32>
    %min3A_107 = arith.constant 5.110000e+02 : f32
    %min3A_108 = vector.broadcast %min3A_107 : f32 to vector<1x4096xf32>
    %min3A_109 = arith.minimumf %add3A_106, %min3A_108 : vector<1x4096xf32>
    %convert_element_type3A_110 = arith.fptosi %min3A_109 : vector<1x4096xf32> to vector<1x4096xi32>
    %swap3A_111 = arith.constant 0 : index
    %swap3A_112 = arith.constant 0 : index
    %swap3A_113 = arith.constant 0 : index
    %swap3A_114 = vector.load %arg6[%swap3A_111, %swap3A_112, %swap3A_113] : memref<1x1x4096xi32, #tpu.memory_space<vmem>>, vector<1x1x4096xi32>
    %swap3A_115 = vector.shape_cast %swap3A_114 : vector<1x1x4096xi32> to vector<1x4096xi32>
    %swap3A_116 = vector.shape_cast %convert_element_type3A_110 : vector<1x4096xi32> to vector<1x1x4096xi32>
    tpu.vector_store %arg6[%swap3A_111, %swap3A_112, %swap3A_113], %swap3A_116 {strides = array<i32>} : memref<1x1x4096xi32, #tpu.memory_space<vmem>>, vector<1x1x4096xi32>,
    return
  }
  func.func @transform_0(%arg0: i32) -> (i32, i32, i32) {
    %c0_i32 = arith.constant 0 : i32
    %c0_i32_0 = arith.constant 0 : i32
    %c0_i32_1 = arith.constant 0 : i32
    return %arg0, %c0_i32, %c0_i32_0 : i32, i32, i32
  }
  func.func @transform_1(%arg0: i32) -> (i32, i32, i32) {
    %c0_i32 = arith.constant 0 : i32
    %c0_i32_0 = arith.constant 0 : i32
    %c0_i32_1 = arith.constant 0 : i32
    return %arg0, %c0_i32, %c0_i32_0 : i32, i32, i32
  }
  func.func @transform_2(%arg0: i32) -> (i32, i32) {
    %c0_i32 = arith.constant 0 : i32
    %c0_i32_0 = arith.constant 0 : i32
    %c0_i32_1 = arith.constant 0 : i32
    return %c0_i32, %c0_i32_0 : i32, i32
  }
  func.func @transform_3(%arg0: i32) -> (i32, i32) {
    %c0_i32 = arith.constant 0 : i32
    %c0_i32_0 = arith.constant 0 : i32
    %c0_i32_1 = arith.constant 0 : i32
    return %c0_i32, %c0_i32_0 : i32, i32
  }
  func.func @transform_4(%arg0: i32) -> (i32, i32, i32) {
    %c0_i32 = arith.constant 0 : i32
    %c0_i32_0 = arith.constant 0 : i32
    %c0_i32_1 = arith.constant 0 : i32
    return %arg0, %c0_i32, %c0_i32_0 : i32, i32, i32
  }
  func.func @transform_5(%arg0: i32) -> (i32, i32, i32) {
    %c0_i32 = arith.constant 0 : i32
    %c0_i32_0 = arith.constant 0 : i32
    %c0_i32_1 = arith.constant 0 : i32
    return %arg0, %c0_i32, %c0_i32_0 : i32, i32, i32
  }
  func.func @transform_6(%arg0: i32) -> (i32, i32, i32) {
    %c0_i32 = arith.constant 0 : i32
    %c0_i32_0 = arith.constant 0 : i32
    %c0_i32_1 = arith.constant 0 : i32
    return %arg0, %c0_i32, %c0_i32_0 : i32, i32, i32
  }
  func.func @transform_7(%arg0: i32) -> (i32, i32, i32) {
    %c0_i32 = arith.constant 0 : i32
    %c0_i32_0 = arith.constant 0 : i32
    %c0_i32_1 = arith.constant 0 : i32
    return %arg0, %c0_i32, %c0_i32_0 : i32, i32, i32
  }
}

</mosaic_0001>

<sc_bundles>
// kernel: kernel.5.cloned.1.call-start
scs
__scs_entry_jumppad:
0x0: {  	(pc) =	sbr.rel $0x88, $3  }
0x1: {  	(tag) =	ssettag $0x0;
	lr =	simm.s32 $0x1  }
0x2: {  	[smem:$0x3F99] =	sst lr;
	_ =	strace $0xD0000000  }
0x3: {  	_ = 	snop  }
0x4: {  	_ = 	snop  }
0x5: {  	_ = 	snop  }
0x6: {  	_ = 	snop  }
0x7: {  	_ = 	snop  }
__scs_overlays_trampoline_lowered:
0x8: {  	[smem:$0x3FA8] =	sst s0  }
0x9: {  	[smem:$0x3FA9] =	sst s1  }
0xa: {  	[smem:$0x3FAA] =	sst s2  }
0xb: {  	[smem:$0x3FAB] =	sst s3  }
0xc: {  	[smem:$0x3FAC] =	sst s4  }
0xd: {  	[smem:$0x3FAD] =	sst s5  }
0xe: {  	[smem:$0x3FAE] =	sst s6  }
0xf: {  	[smem:$0x3FAF] =	sst s7  }
0x10: {  	[smem:$0x3FB0] =	sst s8  }
0x11: {  	[smem:$0x3FB1] =	sst s9;
	s0 =	simm.s32 @!p0 $0x0  }
0x12: {  	s1 =	sld [smem:$0x3F97];
	s0 =	simm.s32 @p0 $0x1  }
0x13: {  	[smem:$0x3FB2] =	sst s0;
	s0 =	simm.s32 @!p1 $0x0  }
0x14: {  	s2 =	sld [smem:$0x3F96];
	s0 =	simm.s32 @p1 $0x1  }
0x15: {  	[smem:$0x3FB3] =	sst s0;
	s0 =	simm.s32 @!p2 $0x0  }
0x16: {  	s3 =	sld [smem:$0x3FDB];
	s0 =	simm.s32 @p2 $0x1  }
0x17: {  	s4 =	simm.s32 $0x1BF5;
	[smem:$0x3FB5] =	sst s0  }
0x18: {  	s0 =	sld [smem:$0x3F98];
	_ =	swait.ge [sflag:s4], $0x0  }
0x19: {  	s7 =	sld [smem:$0x3F99]  }
0x1a: {  	s8 =	sadd.s32 $0xFFFFE003, lr  }
0x1b: {  	s9 =	sadd.s32 $0xFFFFFEF7, lr;
	s5 =	simm.s32 $0xFFFFFFFF;
	p2 =	slt.u32 s8, $0xFFFFF086  }
0x1c: {  	p1 =	slt.u32 s9, $0xF7A;
	s5 =	simm.s32 @!p2 $0x0  }
0x1d: {  	s5 =	simm.s32 @p1 $0x1;
	p0 =	seq.s32 s7, s2  }
0x1e: {  	s7 =	smul.u32 @!p0 $0xF7A, s2;
	p2 =	seq.s32 @!p0 s5, $0x0  }
0x1f: {  	s9 =	smul.u32 $0xF7A, s1;
	s8 =	simm.s32 @!p0 $0x1BF5;
	p2 =	por !p2, p0  }
0x20: {  	[sflag:s8] =	ssyncset.s32 @!p0 $0xFFFFF086;
	s6 =	sadd.s32 @!p0 s3, s7;
	s7 =	simm.s32 @!p0 $0x108  }
0x21: {  	s3 =	sadd.s32 s3, s9;
	s6 =	sadd.s32 @!p0 $0x88, s6;
	s7 =	simm.s32 @p2 $0x1082  }
0x22: {  	[simem:s7], [sflag:s8] =	dma.local @!p0 [hbm:s6], $0xF7A  }
0x23: {  	s9 =	sor.u32 $0xD0000000, s2;
	s6 =	simm.s32 $0x108;
	_ =	swait.ge @!p0 [sflag:s8], $0x0  }
0x24: {  	s3 =	sadd.s32 $0x88, s3;
	s6 =	simm.s32 @!p1 $0x1082;
	[sflag:s4] =	ssyncset.s32 $0xFFFFF086  }
0x25: {  	[simem:s6], [sflag:s4] =	dma.local [hbm:s3], $0xF7A  }
0x26: {  	[smem:$0x3F99] =	sst s1;
	(tag) =	ssettag s2;
	_ =	strace s9  }
0x27: {  	s1 =	sld [smem:$0x3FA9]  }
0x28: {  	s2 =	sld [smem:$0x3FAA]  }
0x29: {  	s4 =	sld [smem:$0x3FAC]  }
0x2a: {  	p0 =	seq.s32 s5, $0x0;
	s5 =	sld [smem:$0x3FAD]  }
0x2b: {  	s6 =	sld [smem:$0x3FAE]  }
0x2c: {  	s7 =	sld [smem:$0x3FAF]  }
0x2d: {  	s3 =	simm.s32 $0x108;
	s8 =	sld [smem:$0x3FB0]  }
0x2e: {  	s3 =	simm.s32 @!p0 $0x1082;
	s9 =	sld [smem:$0x3FB1]  }
0x2f: {  	lr =	sadd.s32 s0, s3;
	s0 =	sld [smem:$0x3FA8]  }
0x30: {  	s3 =	sld [smem:$0x3FAB]  }
0x31: {  	[smem:$0x3FB4] =	sst s10  }
0x32: {  	s10 =	sld [smem:$0x3FB2];
	_ =	sdelay $0x3  }
0x33: {  	p0 =	seq.s32 s10, $0x1;
	s10 =	sld [smem:$0x3FB4];
	_ =	sdelay $0x3  }
0x34: {  	[smem:$0x3FB4] =	sst s10  }
0x35: {  	s10 =	sld [smem:$0x3FB3];
	_ =	sdelay $0x3  }
0x36: {  	p1 =	seq.s32 s10, $0x1;
	s10 =	sld [smem:$0x3FB4];
	_ =	sdelay $0x3  }
0x37: {  	[smem:$0x3FB4] =	sst s10  }
0x38: {  	s10 =	sld [smem:$0x3FB5]  }
0x39: {  	_ = 	snop;
	(pc) =	sbr.ind lr, $3  }
0x3a: {  	_ = 	snop  }
0x3b: {  	_ = 	snop  }
0x3c: {  	p2 =	seq.s32 s10, $0x1;
	s10 =	sld [smem:$0x3FB4]  }
0x3d: {  	_ =	shalt  }
0x3e: {  	_ =	shalt  }
0x3f: {  	_ =	shalt  }
0x40: {  	_ =	shalt  }
0x41: {  	_ =	shalt  }
0x42: {  	_ =	shalt  }
0x43: {  	_ =	shalt  }
0x44: {  	_ =	shalt  }
0x45: {  	_ =	shalt  }
0x46: {  	_ =	shalt  }
0x47: {  	_ =	shalt  }
0x48: {  	_ =	shalt  }
0x49: {  	_ =	shalt  }
0x4a: {  	_ =	shalt  }
0x4b: {  	_ =	shalt  }
0x4c: {  	_ =	shalt  }
0x4d: {  	_ =	shalt  }
0x4e: {  	_ =	shalt  }
0x4f: {  	_ =	shalt  }
0x50: {  	_ =	shalt  }
0x51: {  	_ =	shalt  }
0x52: {  	_ =	shalt  }
0x53: {  	_ =	shalt  }
0x54: {  	_ =	shalt  }
0x55: {  	_ =	shalt  }
0x56: {  	_ =	shalt  }
0x57: {  	_ =	shalt  }
0x58: {  	_ =	shalt  }
0x59: {  	_ =	shalt  }
0x5a: {  	_ =	shalt  }
0x5b: {  	_ =	shalt  }
0x5c: {  	_ =	shalt  }
0x5d: {  	_ =	shalt  }
0x5e: {  	_ =	shalt  }
0x5f: {  	_ =	shalt  }
0x60: {  	_ =	shalt  }
0x61: {  	_ =	shalt  }
0x62: {  	_ =	shalt  }
0x63: {  	_ =	shalt  }
0x64: {  	_ =	shalt  }
0x65: {  	_ =	shalt  }
0x66: {  	_ =	shalt  }
0x67: {  	_ =	shalt  }
0x68: {  	_ =	shalt  }
0x69: {  	_ =	shalt  }
0x6a: {  	_ =	shalt  }
0x6b: {  	_ =	shalt  }
0x6c: {  	_ =	shalt  }
0x6d: {  	_ =	shalt  }
0x6e: {  	_ =	shalt  }
0x6f: {  	_ =	shalt  }
0x70: {  	_ =	shalt  }
0x71: {  	_ =	shalt  }
0x72: {  	_ =	shalt  }
0x73: {  	_ =	shalt  }
0x74: {  	_ =	shalt  }
0x75: {  	_ =	shalt  }
0x76: {  	_ =	shalt  }
0x77: {  	_ =	shalt  }
0x78: {  	_ =	shalt  }
0x79: {  	_ =	shalt  }
0x7a: {  	_ =	shalt  }
0x7b: {  	_ =	shalt  }
0x7c: {  	_ =	shalt  }
0x7d: {  	_ =	shalt  }
0x7e: {  	_ =	shalt  }
0x7f: {  	_ =	shalt  }
0x80: {  	_ =	shalt  }
0x81: {  	_ =	shalt  }
0x82: {  	_ =	shalt  }
0x83: {  	_ =	shalt  }
0x84: {  	_ =	shalt  }
0x85: {  	_ =	shalt  }
0x86: {  	_ =	shalt  }
0x87: {  	_ =	shalt  }
.Lfunc_end0:
.L_simem_size_0:
called_computation_lowered:
.L_overlay_start_0:
0x88: {  	s2 =	sld [smem:$0x3FD9]  }
0x89: {  	s3 =	sld [smem:$0x3FFE];
	_ =	sdelay $0x1  }
0x8a: {  	s1 =	srdreg.scid  }
0x8b: {  	s0 =	sand.u32 $0x1, s1  }
0x8c: {  	s16 =	sshll.u32 s0, $0xA;
	s2 =	sadd.s32 s3, s2  }
0x8d: {  	s2 =	sadd.s32 s2, s16  }
0x8e: {  	[smem:$0x3FC0] =	sst s2  }
0x8f: {  	_ = 	snop  }
0x90: {  	(tm) =	ssettm $0x1  }
0x91: {  	s17 =	sld [smem:$0x3FFB];
	_ =	sdelay $0x3  }
0x92: {  	_ =	strace s17  }
0x93: {  	s2 =	sld [smem:$0x3FFC];
	_ =	sdelay $0x3  }
0x94: {  	_ =	strace s2  }
0x95: {  	s2 =	sld [smem:$0x3FFD];
	_ =	sdelay $0x3  }
0x96: {  	_ =	strace s2  }
0x97: {  	_ =	strace $0x8FFFFFFF  }
0x98: {  	s18 =	sld [smem:$0x3FDB];
	_ =	sdelay $0x1  }
0x99: {  	s19 =	simm.s32 $_scs_section_size  }
0x9a: {  	s4 =	simm.s32 $_size__tile_overlayer_lowered;
	s5 =	simm.s32 $_tile_overlayer_lowered  }
0x9b: {  	s22 =	simm.s32 $0x1BFF;
	s21 =	sshll.u32 s5, $0x1;
	s2 =	sadd.s32 s19, s18  }
0x9c: {  	s6 =	simm.s32 $0x0;
	s20 =	sshll.u32 s4, $0x1;
	s4 =	sadd.s32 s21, s2  }
0x9d: {  	[timem:s6], [sflag:s22] =	dma.local [hbm:s4], s20  }
0x9e: {  	_ =	swait.ge [sflag:s22], s20  }
0x9f: {  	s3 =	ssub.s32 $0x0, s20;
	[sflag:s22] =	ssyncset.done $0x0  }
0xa0: {  	[sflag:s22] =	ssyncadd.s32 s3;
	_ =	sdelay $0x1  }
0xa1: {  	s23 =	simm.s32 $0x1B8B  }
0xa2: {  	_ =	swait.ge [sflag:s23], $0x1  }
0xa3: {  	[sflag:s23] =	ssyncset.done $0x0  }
0xa4: {  	s25 =	simm.s32 $0x1B8E;
	s24 =	sld [smem:$0x3FFE];
	[sflag:s23] =	ssyncadd.s32 $0xFFFFFFFF  }
0xa5: {  	s26 =	simm.s32 $execute0_lowered;
	[smem:$0x3FD2] =	sst s25  }
0xa6: {  	s4 =	sshll.u32 s26, $0x1;
	_ =	strace $0x80000046;
	[dreg:$0x1] =	wrdreg $0xFFFFFFFF  }
0xa7: {  	s28 =	simm.s32 $_size_execute0_lowered;
	s2 =	sadd.s32 s2, s4;
	[dreg:$0x0] =	wrdreg $0x0  }
0xa8: {  	s4 =	sshll.u32 s28, $0x1;
	[dreg:$0x2] =	wrdreg s2  }
0xa9: {  	[dreg:$0x3] =	wrdreg s4  }
0xaa: {  	[dreg:$0x4] =	wrdreg $0xC0  }
0xab: {  	_ =	task [dreg:s6], $0x5FFFF  }
0xac: {  	[dreg:$0x1] =	wrdreg $0xFFFFFFFF  }
0xad: {  	[dreg:$0x0] =	wrdreg $0x60  }
0xae: {  	[dreg:$0x2] =	wrdreg s24  }
0xaf: {  	[dreg:$0x3] =	wrdreg $0x9  }
0xb0: {  	_ =	task.clear_ibuf [dreg:s6], $0x4FFFF;
	_ =	strace $0x90000046  }
0xb1: {  	s29 =	simm.s32 $0x9;
	_ =	strace $0x80000048  }
0xb2: {  	_ =	swait.ge [sflag:s29], $0x1  }
0xb3: {  	[sflag:s29] =	ssyncadd.s32 $0xFFFFFFFF  }
0xb4: {  	_ =	strace $0x90000048  }
0xb5: {  	_ =	sfence  }
0xb6: {  	s30 =	sld [smem:$0x0];
	_ =	sdelay $0x2  }
0xb7: {  	s31 =	sshll.u32 s1, $0xD;
	s1 =	sshrl.u32 s1, $0x2  }
0xb8: {  	s3 =	sand.u32 $0x4000, s31;
	s1 =	sadd.s32 s1, s30  }
0xb9: {  	s0 =	sor.u32 s3, s0;
	s1 =	sshll.u32 s1, $0x11  }
0xba: {  	s0 =	sor.u32 s1, s0  }
0xbb: {  	s0 =	sadd.s32 $0x8F2B, s0  }
0xbc: {  	[sflag:s0] =	ssyncadd.remote.s32 $0x1  }
0xbd: {  	_ =	sfence.sel $0xFFFF  }
0xbe: {  	[dreg:$0x0] =	wrdreg $0xFFFFFFFF;
	(pc) =	sbr.abs _section_cstart, $3  }
0xbf: {  	[dreg:$0x1] =	wrdreg $0xFFFFFFFF  }
0xc0: {  	_ =	task.clear_ibuf [dreg:s6], $0x2FFFF;
	_ =	strace $0x9FFFFFFF  }
0xc1: {  	(tm) =	ssettm $0x7FFFFFFF  }
tec
execute0_lowered:
.L_overlay_start_1:
0x0: {  	(tag) =	ssettag $0x1  }
0x1: {  	s3 =	rddreg [dreg:$0x0]  }
0x2: {  	s0 =	rddreg [dreg:$0x1];
	s2 =	simm.s32 $0x0;
	s1 =	stileid.u32  }
0x3: {  	s6 =	srdreg.scid;
	[smem:$0x7FF] =	sst s2  }
0x4: {  	s4 =	sshrl.u32 s1, $0x3;
	s6 =	sand.u32 $0x1, s6;
	s7 =	sshll.u32 s1, $0x1  }
0x5: {  	_ =	strace $0x80000047;
	s5 =	sshll.u32 s4, $0xE;
	s8 =	ssub.s32 $0x2, s6  }
0x6: {  	s7 =	sand.u32 $0xE, s7;
	s4 =	sand.u32 $0x1, s4;
	s5 =	sadd.s32 s5, s3  }
0x7: {  	s6 =	sor.u32 s6, s7;
	p0 =	seq.s32 s4, $0x1;
	s4 =	simm.s32 $0x5600  }
0x8: {  	s30 =	sshrl.u32 s8, $0x1;
	s6 =	sshll.u32 s6, $0xA;
	s4 =	simm.s32 @!p0 $0x1600  }
0x9: {  	s7 =	ssub.s32 s8, s30;
	s8 =	simm.s32 $0x0;
	s5 =	sadd.s32 s6, s5  }
0xa: {  	v1 =	vlaneseq.u32;
	s31 =	sadd.s32 s4, s3;
	s4 =	smax.u32 s7, $0x1;
	s7 =	simm.s32 $0x2000  }
0xb: {  	v0 =	vimm.f32 $0.0e+00;
	v2 =	vimm.f32 $1.953125000e-03;
	v1 =	vmul.u32 $0x200, v1;
	s3 =	sadd.s32 $0x9600, s5;
	s5 =	sadd.s32 s31, s6;
	s6 =	simm.s32 $0x1  }
.LBB2_1:
0xc: {  	[tilespmem:s2], [sflag:$0x1] =	stream.linear.gather [hbm4b:s5+s2], $0x2000, $0x38;
	[tilespmem:$0x4000] =	vst v63  }
0xd: {  	_ =	swait.ge [sflag:s6], $0x2000  }
0xe: {  	[sflag:s6] =	ssyncset.done $0x0  }
0xf: {  	s9 =	simm.s32 $0x0;
	s10 =	simm.s32 $0x200;
	[sflag:s6] =	ssyncadd.s32 $0xFFFFE000  }
.LBB2_2:
0x10: {  	p0 =	sne.s32 s10, $0x7E00;
	[tilespmem:s9+$0x2070] =	vst v0  }
0x11: {  	[tilespmem:s9+$0x2000] =	vst v0  }
0x12: {  	[tilespmem:s9+$0x2010] =	vst v0  }
.Ltmp0:
0x13: {  	[tilespmem:s9+$0x2020] =	vst v0;
	(pc) =	sbr.rel @p0 .LBB2_2-.Ltmp0, $4  }
0x14: {  	[tilespmem:s9+$0x2030] =	vst v0  }
0x15: {  	[tilespmem:s9+$0x2040] =	vst v0  }
0x16: {  	[tilespmem:s9+$0x2050] =	vst v0  }
0x17: {  	[tilespmem:s9+$0x2060] =	vst v0;
	s9 =	sshra.s32 s10, $0x2;
	s10 =	sadd.s32 $0x200, s10  }
0x18: {  	[tilespmem:s9+$0x2070] =	vst v0  }
0x19: {  	[tilespmem:s9+$0x2000] =	vst v0  }
0x1a: {  	[tilespmem:s9+$0x2010] =	vst v0  }
0x1b: {  	[tilespmem:s9+$0x2020] =	vst v0  }
0x1c: {  	[tilespmem:s9+$0x2030] =	vst v0  }
0x1d: {  	[tilespmem:s9+$0x2040] =	vst v0  }
0x1e: {  	[tilespmem:s9+$0x2050] =	vst v0  }
0x1f: {  	[tilespmem:s9+$0x2060] =	vst v0;
	s9 =	simm.s32 $0x7  }
.LBB2_4:
0x20: {  	s10 =	sadd.s32 $0xFFFFFFF9, s9  }
0x21: {  	v3 =	vor.u32 s10, v1;
	_ =	sdelay $0x4  }
0x22: {  	v3 =	vld.idx.msk [tilespmem:v3+s2+$0x0], $0xffff;
	_ =	sdelay $0x4  }
0x23: {  	s25 =	sadd.s32 $0xFFFFFFFA, s9;
	v3 =	vadd.s32 v1, v3  }
0x24: {  	v4 =	vor.u32 s25, v1;
	_ =	sdelay $0x3  }
0x25: {  	[tilespmem:v3+s7+$0x0] =	vst.idx.add.f32.msk $0xffff, v2  }
0x26: {  	v3 =	vld.idx.msk [tilespmem:v4+s2+$0x0], $0xffff;
	_ =	sdelay $0x4  }
0x27: {  	s26 =	sadd.s32 $0xFFFFFFFB, s9;
	v3 =	vadd.s32 v1, v3  }
0x28: {  	v58 =	vor.u32 s26, v1;
	_ =	sdelay $0x3  }
0x29: {  	[tilespmem:v3+s7+$0x0] =	vst.idx.add.f32.msk $0xffff, v2  }
0x2a: {  	v3 =	vld.idx.msk [tilespmem:v58+s2+$0x0], $0xffff;
	_ =	sdelay $0x4  }
0x2b: {  	s28 =	sadd.s32 $0xFFFFFFFC, s9;
	v3 =	vadd.s32 v1, v3  }
0x2c: {  	v59 =	vor.u32 s28, v1;
	_ =	sdelay $0x3  }
0x2d: {  	[tilespmem:v3+s7+$0x0] =	vst.idx.add.f32.msk $0xffff, v2  }
0x2e: {  	v3 =	vld.idx.msk [tilespmem:v59+s2+$0x0], $0xffff;
	_ =	sdelay $0x4  }
0x2f: {  	s29 =	sadd.s32 $0xFFFFFFFD, s9;
	v3 =	vadd.s32 v1, v3  }
0x30: {  	v60 =	vor.u32 s29, v1;
	_ =	sdelay $0x3  }
0x31: {  	[tilespmem:v3+s7+$0x0] =	vst.idx.add.f32.msk $0xffff, v2  }
0x32: {  	v3 =	vld.idx.msk [tilespmem:v60+s2+$0x0], $0xffff;
	_ =	sdelay $0x4  }
0x33: {  	s30 =	sadd.s32 $0xFFFFFFFE, s9;
	v3 =	vadd.s32 v1, v3  }
0x34: {  	v61 =	vor.u32 s30, v1;
	_ =	sdelay $0x3  }
0x35: {  	[tilespmem:v3+s7+$0x0] =	vst.idx.add.f32.msk $0xffff, v2  }
0x36: {  	v3 =	vld.idx.msk [tilespmem:v61+s2+$0x0], $0xffff;
	_ =	sdelay $0x4  }
0x37: {  	s31 =	sadd.s32 $0xFFFFFFFF, s9;
	v3 =	vadd.s32 v1, v3  }
0x38: {  	v62 =	vor.u32 s31, v1;
	_ =	sdelay $0x3  }
0x39: {  	[tilespmem:v3+s7+$0x0] =	vst.idx.add.f32.msk $0xffff, v2  }
0x3a: {  	v3 =	vld.idx.msk [tilespmem:v62+s2+$0x0], $0xffff;
	_ =	sdelay $0x4  }
0x3b: {  	v3 =	vadd.s32 v1, v3  }
0x3c: {  	v63 =	vor.u32 s9, v1;
	_ =	sdelay $0x3  }
0x3d: {  	[tilespmem:v3+s7+$0x0] =	vst.idx.add.f32.msk $0xffff, v2  }
0x3e: {  	v3 =	vld.idx.msk [tilespmem:v63+s2+$0x0], $0xffff;
	_ =	sdelay $0x4  }
0x3f: {  	p0 =	sne.s32 s9, $0x1FF;
	v3 =	vadd.s32 v1, v3  }
.Ltmp1:
0x40: {  	_ = 	snop;
	(pc) =	sbr.rel @p0 .LBB2_4-.Ltmp1, $2  }
0x41: {  	_ =	sdelay $0x2  }
0x42: {  	s9 =	sadd.s32 $0x8, s9;
	[tilespmem:v3+s7+$0x0] =	vst.idx.add.f32.msk $0xffff, v2  }
0x43: {  	s8 =	sadd.s32 $0x1, s8  }
0x44: {  	p0 =	sne.s32 s8, s4  }
.Ltmp2:
0x45: {  	_ = 	snop;
	(pc) =	sbr.rel @p0 .LBB2_1-.Ltmp2, $4  }
0x46: {  	[hbm4b:s3+s2] =	stream.linear.scatter [tilespmem:s7], [sflag:$0x1], $0x2000, $0x38;
	[tilespmem:$0x4000] =	vst v63  }
0x47: {  	_ =	swait.ge [sflag:s6], $0x2000  }
0x48: {  	[sflag:s6] =	ssyncset.done $0x0  }
0x49: {  	[sflag:s6] =	ssyncadd.s32 $0xFFFFE000  }
0x4a: {  	_ =	sfence.sel $0x180000  }
0x4b: {  	[bflag:$0x0] =	sbarrier.arrive $0xFFFF  }
0x4c: {  	p0 =	sne.s32 s1, $0x0;
	_ =	strace $0x90000047  }
0x4d: {  	s0 =	sadd.s32 @!p0 $0x100000, s0;
	[bflag:$0x2] =	sbarrier.arrive $0xFFFF  }
0x4e: {  	[sflag:s0] =	ssyncadd.tile.s32 @!p0 $0x1;
	_ =	shalt  }
.Lfunc_end2:
_tile_overlayer_lowered:
.L_overlay_start_2:
0x4f: {  	(tag) =	ssettag $0x2  }
0x50: {  	s0 =	rddreg [dreg:$0x0];
	s2 =	stileid.u32  }
0x51: {  	s1 =	rddreg [dreg:$0x1];
	p0 =	sne.s32 s2, $0x0  }
0x52: {  	s3 =	rddreg [dreg:$0x2];
	[bflag:$0x3] =	sbarrier.arrive $0xFFFF;
	s2 =	simm.s32 @!p0 $0x1C01  }
0x53: {  	[timem:s3], [sflag:s2] =	dma.local @!p0 [hbm:s0], s1  }
0x54: {  	s0 =	simm.s32 @!p0 $0x1  }
0x55: {  	_ =	swait.ge @!p0 [sflag:s0], s1  }
0x56: {  	s1 =	ssub.s32 @!p0 $0x0, s1;
	[sflag:s0] =	ssyncset.done @!p0 $0x0  }
0x57: {  	[sflag:s0] =	ssyncadd.s32 @!p0 s1  }
0x58: {  	[bflag:$0x3] =	sbarrier.arrive $0xFFFF  }
0x59: {  	_ =	shalt  }

</sc_bundles>
